<compile_context>
chip_gen: v7x
topology: tpu7x:2x2x1
jax: 0.10.2.dev20260603
libtpu: 0.0.44.dev20260713+nightly
codegen_flags: <defaults>
</compile_context>

<pallas_src>
import functools

import jax
import jax.numpy as jnp
from jax import lax
from jax.experimental import pallas as pl
from jax.experimental.pallas import tpu as pltpu
from jax.experimental.pallas import tpu_sc as plsc

MAXLEN = 8192
NROWS = 2 * MAXLEN - 1
D = 1024
SC_ROWS = 7168
TCB = 1024

ROWS_PER_W = SC_ROWS // 32
CHUNK = 32
NBUF = 3
_STARTS = []
_s = 0
while _s < ROWS_PER_W:
    _STARTS.append(min(_s, ROWS_PER_W - CHUNK))
    _s += CHUNK
NCHUNKS = len(_STARTS)


def _sc_body(table, out, *scratch):
    bufs = scratch[:NBUF]
    isems = scratch[NBUF : 2 * NBUF]
    osems = scratch[2 * NBUF :]
    c = lax.axis_index("c")
    s = lax.axis_index("s")
    w = s * 2 + c
    dst0 = pl.multiple_of(w * ROWS_PER_W, 8)
    src0 = pl.multiple_of(dst0 + MAXLEN, 8)

    loads = [
        pltpu.make_async_copy(
            table.at[pl.ds(src0 + st, CHUNK)], bufs[i % NBUF], isems[i % NBUF]
        )
        for i, st in enumerate(_STARTS)
    ]
    stores = [
        pltpu.make_async_copy(
            bufs[i % NBUF], out.at[pl.ds(dst0 + st, CHUNK)], osems[i % NBUF]
        )
        for i, st in enumerate(_STARTS)
    ]

    ahead = NBUF - 1
    waited = set()
    for j in range(min(ahead, NCHUNKS)):
        loads[j].start()
    for i in range(NCHUNKS):
        j = i + ahead
        if j < NCHUNKS:
            if j - NBUF >= 0:
                stores[j - NBUF].wait()
                waited.add(j - NBUF)
            loads[j].start()
        loads[i].wait()
        stores[i].start()
    for i in range(NCHUNKS):
        if i not in waited:
            stores[i].wait()


_sc_half = functools.partial(
    pl.kernel,
    mesh=plsc.VectorSubcoreMesh(core_axis_name="c", subcore_axis_name="s"),
    out_type=jax.ShapeDtypeStruct((NROWS, D), jnp.float32),
    scratch_types=(
        [pltpu.VMEM((CHUNK, D), jnp.float32)] * NBUF
        + [pltpu.SemaphoreType.DMA] * (2 * NBUF)
    ),
)(_sc_body)


def _tc_body(prev, a, b, o):
    del prev
    k = pl.program_id(0)

    @pl.when(k == 0)
    def _seam():
        o[...] = jnp.concatenate([a[0 : TCB - 1], b[0:1]], axis=0)

    @pl.when(k > 0)
    def _shift():
        o[...] = jnp.concatenate([a[1:TCB], b[0:1]], axis=0)


_tc_half = pl.pallas_call(
    _tc_body,
    grid=(9,),
    in_specs=[
        pl.BlockSpec(memory_space=pl.ANY),
        pl.BlockSpec((TCB, D), lambda k: (jnp.where(k == 0, 15, k - 1), 0)),
        pl.BlockSpec((8, D), lambda k: (128 * k, 0)),
    ],
    out_specs=pl.BlockSpec((TCB, D), lambda k: (7 + k, 0)),
    out_shape=jax.ShapeDtypeStruct((NROWS, D), jnp.float32),
    input_output_aliases={0: 0},
)


def kernel(x, table):
    del x
    return _tc_half(_sc_half(table), table, table)

# --- scband reference (transcript-rebuilt; emitter-appended) ---
"""Pipeline reference for scband-relative-positional-embedding-15994458210650 (READ-ONLY COPY).

The authoritative reference and input builder live on the scoring server;
editing this copy changes nothing except your own understanding.
"""

import jax, jax.numpy as jnp
import numpy as np

MAX_SEQ_LEN = 8192
D_MODEL = 1024


def setup_inputs(seed: int = 0) -> dict:
    key = jax.random.key(seed)
    k1, k2 = jax.random.split(key)
    x = jax.random.normal(k1, (2, MAX_SEQ_LEN, D_MODEL), dtype=jnp.float32)
    table = jax.random.normal(k2, (2 * MAX_SEQ_LEN - 1, D_MODEL), dtype=jnp.float32) * 0.02
    return {"x": x, "table": table}


def reference(x, table):
    # Faithful translation of RelativePositionalEmbedding.forward:
    #   seq_len = x.size(1)
    #   positions = arange(-seq_len + 1, seq_len)
    #   return embedding(positions)
    # Table has 2*max_seq_len-1 rows. With seq_len == max_seq_len, the negative
    # positions -seq_len+1 .. -1 index (via Python/JAX wrap-around semantics)
    # rows max_seq_len .. 2*max_seq_len-2, i.e. the standard relative-position
    # offset layout. Gather maps to a SparseCore-friendly embedding lookup.
    seq_len = x.shape[1]
    positions = jnp.arange(-seq_len + 1, seq_len)
    return table[positions]

if __name__ == "__main__":
    import jax
    _d = setup_inputs()
    print(jax.jit(kernel)(*tuple(_d.values())))

</pallas_src>

<mosaic_0001>
#map = affine_map<(d0, d1) -> (0, 0)>
module attributes {stable_mosaic.version = 14 : i64} {
  func.func @_sc_body(%arg0: i32, %arg1: i32, %arg2: memref<16383x1024xf32, #tpu.memory_space<hbm>>, %arg3: memref<16383x1024xf32, #tpu.memory_space<hbm>>, %arg4: memref<32x1024xf32, #tpu.memory_space<vmem>>, %arg5: memref<32x1024xf32, #tpu.memory_space<vmem>>, %arg6: memref<32x1024xf32, #tpu.memory_space<vmem>>, %arg7: memref<!tpu.dma_semaphore, #tpu.memory_space<semaphore_mem>>, %arg8: memref<!tpu.dma_semaphore, #tpu.memory_space<semaphore_mem>>, %arg9: memref<!tpu.dma_semaphore, #tpu.memory_space<semaphore_mem>>, %arg10: memref<!tpu.dma_semaphore, #tpu.memory_space<semaphore_mem>>, %arg11: memref<!tpu.dma_semaphore, #tpu.memory_space<semaphore_mem>>, %arg12: memref<!tpu.dma_semaphore, #tpu.memory_space<semaphore_mem>>) attributes {dimension_semantics = [#tpu.dimension_semantics<core_parallel>, #tpu.dimension_semantics<subcore_parallel>], iteration_bounds = array<i64: 2, 16>, scalar_prefetch = 0 : i64, scratch_operands = 9 : i64, tpu.core_type = #tpu.core_type<sc_vector_subcore>, window_params = [{transform_indices = #map}, {transform_indices = #map}]} {
    %mul3A = arith.constant 2 : i32
    %mul3A_0 = arith.muli %arg1, %mul3A : i32
    %add3A = arith.addi %mul3A_0, %arg0 : i32
    %mul3A_1 = arith.constant 224 : i32
    %mul3A_2 = arith.muli %add3A, %mul3A_1 : i32
    %multiple_of3A = tpu.assume_multiple %mul3A_2, 8 : i32
    %add3A_3 = arith.constant 8192 : i32
    %add3A_4 = arith.addi %multiple_of3A, %add3A_3 : i32
    %multiple_of3A_5 = tpu.assume_multiple %add3A_4, 8 : i32
    %add3A_6 = arith.constant 0 : i32
    %add3A_7 = arith.addi %multiple_of3A_5, %add3A_6 : i32
    %add3A_8 = arith.constant 32 : i32
    %add3A_9 = arith.addi %multiple_of3A_5, %add3A_8 : i32
    %add3A_10 = arith.constant 64 : i32
    %add3A_11 = arith.addi %multiple_of3A_5, %add3A_10 : i32
    %add3A_12 = arith.constant 96 : i32
    %add3A_13 = arith.addi %multiple_of3A_5, %add3A_12 : i32
    %add3A_14 = arith.constant 128 : i32
    %add3A_15 = arith.addi %multiple_of3A_5, %add3A_14 : i32
    %add3A_16 = arith.constant 160 : i32
    %add3A_17 = arith.addi %multiple_of3A_5, %add3A_16 : i32
    %add3A_18 = arith.constant 192 : i32
    %add3A_19 = arith.addi %multiple_of3A_5, %add3A_18 : i32
    %add3A_20 = arith.constant 0 : i32
    %add3A_21 = arith.addi %multiple_of3A, %add3A_20 : i32
    %add3A_22 = arith.constant 32 : i32
    %add3A_23 = arith.addi %multiple_of3A, %add3A_22 : i32
    %add3A_24 = arith.constant 64 : i32
    %add3A_25 = arith.addi %multiple_of3A, %add3A_24 : i32
    %add3A_26 = arith.constant 96 : i32
    %add3A_27 = arith.addi %multiple_of3A, %add3A_26 : i32
    %add3A_28 = arith.constant 128 : i32
    %add3A_29 = arith.addi %multiple_of3A, %add3A_28 : i32
    %add3A_30 = arith.constant 160 : i32
    %add3A_31 = arith.addi %multiple_of3A, %add3A_30 : i32
    %add3A_32 = arith.constant 192 : i32
    %add3A_33 = arith.addi %multiple_of3A, %add3A_32 : i32
    %dma_start3A = arith.constant 0 : i32
    %dma_start3A_34 = tpu.memref_slice %arg2[%add3A_7, %dma_start3A] : memref<16383x1024xf32, #tpu.memory_space<hbm>> -> memref<32x1024xf32, #tpu.memory_space<hbm>>
    %dma_start3A_35 = arith.constant 0 : i32
    %dma_start3A_36 = tpu.memref_slice %arg2[%add3A_7, %dma_start3A_35] : memref<16383x1024xf32, #tpu.memory_space<hbm>> -> memref<32x1024xf32, #tpu.memory_space<hbm>>
    tpu.enqueue_dma source(%dma_start3A_36 : memref<32x1024xf32, #tpu.memory_space<hbm>>) target(%arg4 : memref<32x1024xf32, #tpu.memory_space<vmem>>) target_semaphore(%arg7 : memref<!tpu.dma_semaphore, #tpu.memory_space<semaphore_mem>>)
    %dma_start3A_37 = arith.constant 0 : i32
    %dma_start3A_38 = tpu.memref_slice %arg2[%add3A_9, %dma_start3A_37] : memref<16383x1024xf32, #tpu.memory_space<hbm>> -> memref<32x1024xf32, #tpu.memory_space<hbm>>
    %dma_start3A_39 = arith.constant 0 : i32
    %dma_start3A_40 = tpu.memref_slice %arg2[%add3A_9, %dma_start3A_39] : memref<16383x1024xf32, #tpu.memory_space<hbm>> -> memref<32x1024xf32, #tpu.memory_space<hbm>>
    tpu.enqueue_dma source(%dma_start3A_40 : memref<32x1024xf32, #tpu.memory_space<hbm>>) target(%arg5 : memref<32x1024xf32, #tpu.memory_space<vmem>>) target_semaphore(%arg8 : memref<!tpu.dma_semaphore, #tpu.memory_space<semaphore_mem>>)
    %dma_start3A_41 = arith.constant 0 : i32
    %dma_start3A_42 = tpu.memref_slice %arg2[%add3A_11, %dma_start3A_41] : memref<16383x1024xf32, #tpu.memory_space<hbm>> -> memref<32x1024xf32, #tpu.memory_space<hbm>>
    %dma_start3A_43 = arith.constant 0 : i32
    %dma_start3A_44 = tpu.memref_slice %arg2[%add3A_11, %dma_start3A_43] : memref<16383x1024xf32, #tpu.memory_space<hbm>> -> memref<32x1024xf32, #tpu.memory_space<hbm>>
    tpu.enqueue_dma source(%dma_start3A_44 : memref<32x1024xf32, #tpu.memory_space<hbm>>) target(%arg6 : memref<32x1024xf32, #tpu.memory_space<vmem>>) target_semaphore(%arg9 : memref<!tpu.dma_semaphore, #tpu.memory_space<semaphore_mem>>)
    %dma_wait3A = arith.constant 0 : i32
    %dma_wait3A_45 = tpu.memref_slice %arg2[%add3A_7, %dma_wait3A] : memref<16383x1024xf32, #tpu.memory_space<hbm>> -> memref<32x1024xf32, #tpu.memory_space<hbm>>
    %dma_wait3A_46 = arith.constant 0 : i32
    %dma_wait3A_47 = tpu.memref_slice %arg2[%add3A_7, %dma_wait3A_46] : memref<16383x1024xf32, #tpu.memory_space<hbm>> -> memref<32x1024xf32, #tpu.memory_space<hbm>>
    tpu.wait_dma2 semaphore(%arg7 : memref<!tpu.dma_semaphore, #tpu.memory_space<semaphore_mem>>) src(%dma_wait3A_47 : memref<32x1024xf32, #tpu.memory_space<hbm>>) dst(%arg4 : memref<32x1024xf32, #tpu.memory_space<vmem>>)
    %dma_start3A_48 = arith.constant 0 : i32
    %dma_start3A_49 = tpu.memref_slice %arg3[%add3A_21, %dma_start3A_48] : memref<16383x1024xf32, #tpu.memory_space<hbm>> -> memref<32x1024xf32, #tpu.memory_space<hbm>>
    %dma_start3A_50 = arith.constant 0 : i32
    %dma_start3A_51 = tpu.memref_slice %arg3[%add3A_21, %dma_start3A_50] : memref<16383x1024xf32, #tpu.memory_space<hbm>> -> memref<32x1024xf32, #tpu.memory_space<hbm>>
    tpu.enqueue_dma source(%arg4 : memref<32x1024xf32, #tpu.memory_space<vmem>>) target(%dma_start3A_51 : memref<32x1024xf32, #tpu.memory_space<hbm>>) target_semaphore(%arg10 : memref<!tpu.dma_semaphore, #tpu.memory_space<semaphore_mem>>)
    %dma_wait3A_52 = arith.constant 0 : i32
    %dma_wait3A_53 = tpu.memref_slice %arg3[%add3A_21, %dma_wait3A_52] : memref<16383x1024xf32, #tpu.memory_space<hbm>> -> memref<32x1024xf32, #tpu.memory_space<hbm>>
    %dma_wait3A_54 = arith.constant 0 : i32
    %dma_wait3A_55 = tpu.memref_slice %arg3[%add3A_21, %dma_wait3A_54] : memref<16383x1024xf32, #tpu.memory_space<hbm>> -> memref<32x1024xf32, #tpu.memory_space<hbm>>
    tpu.wait_dma2 semaphore(%arg10 : memref<!tpu.dma_semaphore, #tpu.memory_space<semaphore_mem>>) src(%arg4 : memref<32x1024xf32, #tpu.memory_space<vmem>>) dst(%dma_wait3A_55 : memref<32x1024xf32, #tpu.memory_space<hbm>>)
    %dma_start3A_56 = arith.constant 0 : i32
    %dma_start3A_57 = tpu.memref_slice %arg2[%add3A_13, %dma_start3A_56] : memref<16383x1024xf32, #tpu.memory_space<hbm>> -> memref<32x1024xf32, #tpu.memory_space<hbm>>
    %dma_start3A_58 = arith.constant 0 : i32
    %dma_start3A_59 = tpu.memref_slice %arg2[%add3A_13, %dma_start3A_58] : memref<16383x1024xf32, #tpu.memory_space<hbm>> -> memref<32x1024xf32, #tpu.memory_space<hbm>>
    tpu.enqueue_dma source(%dma_start3A_59 : memref<32x1024xf32, #tpu.memory_space<hbm>>) target(%arg4 : memref<32x1024xf32, #tpu.memory_space<vmem>>) target_semaphore(%arg7 : memref<!tpu.dma_semaphore, #tpu.memory_space<semaphore_mem>>)
    %dma_wait3A_60 = arith.constant 0 : i32
    %dma_wait3A_61 = tpu.memref_slice %arg2[%add3A_9, %dma_wait3A_60] : memref<16383x1024xf32, #tpu.memory_space<hbm>> -> memref<32x1024xf32, #tpu.memory_space<hbm>>
    %dma_wait3A_62 = arith.constant 0 : i32
    %dma_wait3A_63 = tpu.memref_slice %arg2[%add3A_9, %dma_wait3A_62] : memref<16383x1024xf32, #tpu.memory_space<hbm>> -> memref<32x1024xf32, #tpu.memory_space<hbm>>
    tpu.wait_dma2 semaphore(%arg8 : memref<!tpu.dma_semaphore, #tpu.memory_space<semaphore_mem>>) src(%dma_wait3A_63 : memref<32x1024xf32, #tpu.memory_space<hbm>>) dst(%arg5 : memref<32x1024xf32, #tpu.memory_space<vmem>>)
    %dma_start3A_64 = arith.constant 0 : i32
    %dma_start3A_65 = tpu.memref_slice %arg3[%add3A_23, %dma_start3A_64] : memref<16383x1024xf32, #tpu.memory_space<hbm>> -> memref<32x1024xf32, #tpu.memory_space<hbm>>
    %dma_start3A_66 = arith.constant 0 : i32
    %dma_start3A_67 = tpu.memref_slice %arg3[%add3A_23, %dma_start3A_66] : memref<16383x1024xf32, #tpu.memory_space<hbm>> -> memref<32x1024xf32, #tpu.memory_space<hbm>>
    tpu.enqueue_dma source(%arg5 : memref<32x1024xf32, #tpu.memory_space<vmem>>) target(%dma_start3A_67 : memref<32x1024xf32, #tpu.memory_space<hbm>>) target_semaphore(%arg11 : memref<!tpu.dma_semaphore, #tpu.memory_space<semaphore_mem>>)
    %dma_wait3A_68 = arith.constant 0 : i32
    %dma_wait3A_69 = tpu.memref_slice %arg3[%add3A_23, %dma_wait3A_68] : memref<16383x1024xf32, #tpu.memory_space<hbm>> -> memref<32x1024xf32, #tpu.memory_space<hbm>>
    %dma_wait3A_70 = arith.constant 0 : i32
    %dma_wait3A_71 = tpu.memref_slice %arg3[%add3A_23, %dma_wait3A_70] : memref<16383x1024xf32, #tpu.memory_space<hbm>> -> memref<32x1024xf32, #tpu.memory_space<hbm>>
    tpu.wait_dma2 semaphore(%arg11 : memref<!tpu.dma_semaphore, #tpu.memory_space<semaphore_mem>>) src(%arg5 : memref<32x1024xf32, #tpu.memory_space<vmem>>) dst(%dma_wait3A_71 : memref<32x1024xf32, #tpu.memory_space<hbm>>)
    %dma_start3A_72 = arith.constant 0 : i32
    %dma_start3A_73 = tpu.memref_slice %arg2[%add3A_15, %dma_start3A_72] : memref<16383x1024xf32, #tpu.memory_space<hbm>> -> memref<32x1024xf32, #tpu.memory_space<hbm>>
    %dma_start3A_74 = arith.constant 0 : i32
    %dma_start3A_75 = tpu.memref_slice %arg2[%add3A_15, %dma_start3A_74] : memref<16383x1024xf32, #tpu.memory_space<hbm>> -> memref<32x1024xf32, #tpu.memory_space<hbm>>
    tpu.enqueue_dma source(%dma_start3A_75 : memref<32x1024xf32, #tpu.memory_space<hbm>>) target(%arg5 : memref<32x1024xf32, #tpu.memory_space<vmem>>) target_semaphore(%arg8 : memref<!tpu.dma_semaphore, #tpu.memory_space<semaphore_mem>>)
    %dma_wait3A_76 = arith.constant 0 : i32
    %dma_wait3A_77 = tpu.memref_slice %arg2[%add3A_11, %dma_wait3A_76] : memref<16383x1024xf32, #tpu.memory_space<hbm>> -> memref<32x1024xf32, #tpu.memory_space<hbm>>
    %dma_wait3A_78 = arith.constant 0 : i32
    %dma_wait3A_79 = tpu.memref_slice %arg2[%add3A_11, %dma_wait3A_78] : memref<16383x1024xf32, #tpu.memory_space<hbm>> -> memref<32x1024xf32, #tpu.memory_space<hbm>>
    tpu.wait_dma2 semaphore(%arg9 : memref<!tpu.dma_semaphore, #tpu.memory_space<semaphore_mem>>) src(%dma_wait3A_79 : memref<32x1024xf32, #tpu.memory_space<hbm>>) dst(%arg6 : memref<32x1024xf32, #tpu.memory_space<vmem>>)
    %dma_start3A_80 = arith.constant 0 : i32
    %dma_start3A_81 = tpu.memref_slice %arg3[%add3A_25, %dma_start3A_80] : memref<16383x1024xf32, #tpu.memory_space<hbm>> -> memref<32x1024xf32, #tpu.memory_space<hbm>>
    %dma_start3A_82 = arith.constant 0 : i32
    %dma_start3A_83 = tpu.memref_slice %arg3[%add3A_25, %dma_start3A_82] : memref<16383x1024xf32, #tpu.memory_space<hbm>> -> memref<32x1024xf32, #tpu.memory_space<hbm>>
    tpu.enqueue_dma source(%arg6 : memref<32x1024xf32, #tpu.memory_space<vmem>>) target(%dma_start3A_83 : memref<32x1024xf32, #tpu.memory_space<hbm>>) target_semaphore(%arg12 : memref<!tpu.dma_semaphore, #tpu.memory_space<semaphore_mem>>)
    %dma_wait3A_84 = arith.constant 0 : i32
    %dma_wait3A_85 = tpu.memref_slice %arg3[%add3A_25, %dma_wait3A_84] : memref<16383x1024xf32, #tpu.memory_space<hbm>> -> memref<32x1024xf32, #tpu.memory_space<hbm>>
    %dma_wait3A_86 = arith.constant 0 : i32
    %dma_wait3A_87 = tpu.memref_slice %arg3[%add3A_25, %dma_wait3A_86] : memref<16383x1024xf32, #tpu.memory_space<hbm>> -> memref<32x1024xf32, #tpu.memory_space<hbm>>
    tpu.wait_dma2 semaphore(%arg12 : memref<!tpu.dma_semaphore, #tpu.memory_space<semaphore_mem>>) src(%arg6 : memref<32x1024xf32, #tpu.memory_space<vmem>>) dst(%dma_wait3A_87 : memref<32x1024xf32, #tpu.memory_space<hbm>>)
    %dma_start3A_88 = arith.constant 0 : i32
    %dma_start3A_89 = tpu.memref_slice %arg2[%add3A_17, %dma_start3A_88] : memref<16383x1024xf32, #tpu.memory_space<hbm>> -> memref<32x1024xf32, #tpu.memory_space<hbm>>
    %dma_start3A_90 = arith.constant 0 : i32
    %dma_start3A_91 = tpu.memref_slice %arg2[%add3A_17, %dma_start3A_90] : memref<16383x1024xf32, #tpu.memory_space<hbm>> -> memref<32x1024xf32, #tpu.memory_space<hbm>>
    tpu.enqueue_dma source(%dma_start3A_91 : memref<32x1024xf32, #tpu.memory_space<hbm>>) target(%arg6 : memref<32x1024xf32, #tpu.memory_space<vmem>>) target_semaphore(%arg9 : memref<!tpu.dma_semaphore, #tpu.memory_space<semaphore_mem>>)
    %dma_wait3A_92 = arith.constant 0 : i32
    %dma_wait3A_93 = tpu.memref_slice %arg2[%add3A_13, %dma_wait3A_92] : memref<16383x1024xf32, #tpu.memory_space<hbm>> -> memref<32x1024xf32, #tpu.memory_space<hbm>>
    %dma_wait3A_94 = arith.constant 0 : i32
    %dma_wait3A_95 = tpu.memref_slice %arg2[%add3A_13, %dma_wait3A_94] : memref<16383x1024xf32, #tpu.memory_space<hbm>> -> memref<32x1024xf32, #tpu.memory_space<hbm>>
    tpu.wait_dma2 semaphore(%arg7 : memref<!tpu.dma_semaphore, #tpu.memory_space<semaphore_mem>>) src(%dma_wait3A_95 : memref<32x1024xf32, #tpu.memory_space<hbm>>) dst(%arg4 : memref<32x1024xf32, #tpu.memory_space<vmem>>)
    %dma_start3A_96 = arith.constant 0 : i32
    %dma_start3A_97 = tpu.memref_slice %arg3[%add3A_27, %dma_start3A_96] : memref<16383x1024xf32, #tpu.memory_space<hbm>> -> memref<32x1024xf32, #tpu.memory_space<hbm>>
    %dma_start3A_98 = arith.constant 0 : i32
    %dma_start3A_99 = tpu.memref_slice %arg3[%add3A_27, %dma_start3A_98] : memref<16383x1024xf32, #tpu.memory_space<hbm>> -> memref<32x1024xf32, #tpu.memory_space<hbm>>
    tpu.enqueue_dma source(%arg4 : memref<32x1024xf32, #tpu.memory_space<vmem>>) target(%dma_start3A_99 : memref<32x1024xf32, #tpu.memory_space<hbm>>) target_semaphore(%arg10 : memref<!tpu.dma_semaphore, #tpu.memory_space<semaphore_mem>>)
    %dma_wait3A_100 = arith.constant 0 : i32
    %dma_wait3A_101 = tpu.memref_slice %arg3[%add3A_27, %dma_wait3A_100] : memref<16383x1024xf32, #tpu.memory_space<hbm>> -> memref<32x1024xf32, #tpu.memory_space<hbm>>
    %dma_wait3A_102 = arith.constant 0 : i32
    %dma_wait3A_103 = tpu.memref_slice %arg3[%add3A_27, %dma_wait3A_102] : memref<16383x1024xf32, #tpu.memory_space<hbm>> -> memref<32x1024xf32, #tpu.memory_space<hbm>>
    tpu.wait_dma2 semaphore(%arg10 : memref<!tpu.dma_semaphore, #tpu.memory_space<semaphore_mem>>) src(%arg4 : memref<32x1024xf32, #tpu.memory_space<vmem>>) dst(%dma_wait3A_103 : memref<32x1024xf32, #tpu.memory_space<hbm>>)
    %dma_start3A_104 = arith.constant 0 : i32
    %dma_start3A_105 = tpu.memref_slice %arg2[%add3A_19, %dma_start3A_104] : memref<16383x1024xf32, #tpu.memory_space<hbm>> -> memref<32x1024xf32, #tpu.memory_space<hbm>>
    %dma_start3A_106 = arith.constant 0 : i32
    %dma_start3A_107 = tpu.memref_slice %arg2[%add3A_19, %dma_start3A_106] : memref<16383x1024xf32, #tpu.memory_space<hbm>> -> memref<32x1024xf32, #tpu.memory_space<hbm>>
    tpu.enqueue_dma source(%dma_start3A_107 : memref<32x1024xf32, #tpu.memory_space<hbm>>) target(%arg4 : memref<32x1024xf32, #tpu.memory_space<vmem>>) target_semaphore(%arg7 : memref<!tpu.dma_semaphore, #tpu.memory_space<semaphore_mem>>)
    %dma_wait3A_108 = arith.constant 0 : i32
    %dma_wait3A_109 = tpu.memref_slice %arg2[%add3A_15, %dma_wait3A_108] : memref<16383x1024xf32, #tpu.memory_space<hbm>> -> memref<32x1024xf32, #tpu.memory_space<hbm>>
    %dma_wait3A_110 = arith.constant 0 : i32
    %dma_wait3A_111 = tpu.memref_slice %arg2[%add3A_15, %dma_wait3A_110] : memref<16383x1024xf32, #tpu.memory_space<hbm>> -> memref<32x1024xf32, #tpu.memory_space<hbm>>
    tpu.wait_dma2 semaphore(%arg8 : memref<!tpu.dma_semaphore, #tpu.memory_space<semaphore_mem>>) src(%dma_wait3A_111 : memref<32x1024xf32, #tpu.memory_space<hbm>>) dst(%arg5 : memref<32x1024xf32, #tpu.memory_space<vmem>>)
    %dma_start3A_112 = arith.constant 0 : i32
    %dma_start3A_113 = tpu.memref_slice %arg3[%add3A_29, %dma_start3A_112] : memref<16383x1024xf32, #tpu.memory_space<hbm>> -> memref<32x1024xf32, #tpu.memory_space<hbm>>
    %dma_start3A_114 = arith.constant 0 : i32
    %dma_start3A_115 = tpu.memref_slice %arg3[%add3A_29, %dma_start3A_114] : memref<16383x1024xf32, #tpu.memory_space<hbm>> -> memref<32x1024xf32, #tpu.memory_space<hbm>>
    tpu.enqueue_dma source(%arg5 : memref<32x1024xf32, #tpu.memory_space<vmem>>) target(%dma_start3A_115 : memref<32x1024xf32, #tpu.memory_space<hbm>>) target_semaphore(%arg11 : memref<!tpu.dma_semaphore, #tpu.memory_space<semaphore_mem>>)
    %dma_wait3A_116 = arith.constant 0 : i32
    %dma_wait3A_117 = tpu.memref_slice %arg2[%add3A_17, %dma_wait3A_116] : memref<16383x1024xf32, #tpu.memory_space<hbm>> -> memref<32x1024xf32, #tpu.memory_space<hbm>>
    %dma_wait3A_118 = arith.constant 0 : i32
    %dma_wait3A_119 = tpu.memref_slice %arg2[%add3A_17, %dma_wait3A_118] : memref<16383x1024xf32, #tpu.memory_space<hbm>> -> memref<32x1024xf32, #tpu.memory_space<hbm>>
    tpu.wait_dma2 semaphore(%arg9 : memref<!tpu.dma_semaphore, #tpu.memory_space<semaphore_mem>>) src(%dma_wait3A_119 : memref<32x1024xf32, #tpu.memory_space<hbm>>) dst(%arg6 : memref<32x1024xf32, #tpu.memory_space<vmem>>)
    %dma_start3A_120 = arith.constant 0 : i32
    %dma_start3A_121 = tpu.memref_slice %arg3[%add3A_31, %dma_start3A_120] : memref<16383x1024xf32, #tpu.memory_space<hbm>> -> memref<32x1024xf32, #tpu.memory_space<hbm>>
    %dma_start3A_122 = arith.constant 0 : i32
    %dma_start3A_123 = tpu.memref_slice %arg3[%add3A_31, %dma_start3A_122] : memref<16383x1024xf32, #tpu.memory_space<hbm>> -> memref<32x1024xf32, #tpu.memory_space<hbm>>
    tpu.enqueue_dma source(%arg6 : memref<32x1024xf32, #tpu.memory_space<vmem>>) target(%dma_start3A_123 : memref<32x1024xf32, #tpu.memory_space<hbm>>) target_semaphore(%arg12 : memref<!tpu.dma_semaphore, #tpu.memory_space<semaphore_mem>>)
    %dma_wait3A_124 = arith.constant 0 : i32
    %dma_wait3A_125 = tpu.memref_slice %arg2[%add3A_19, %dma_wait3A_124] : memref<16383x1024xf32, #tpu.memory_space<hbm>> -> memref<32x1024xf32, #tpu.memory_space<hbm>>
    %dma_wait3A_126 = arith.constant 0 : i32
    %dma_wait3A_127 = tpu.memref_slice %arg2[%add3A_19, %dma_wait3A_126] : memref<16383x1024xf32, #tpu.memory_space<hbm>> -> memref<32x1024xf32, #tpu.memory_space<hbm>>
    tpu.wait_dma2 semaphore(%arg7 : memref<!tpu.dma_semaphore, #tpu.memory_space<semaphore_mem>>) src(%dma_wait3A_127 : memref<32x1024xf32, #tpu.memory_space<hbm>>) dst(%arg4 : memref<32x1024xf32, #tpu.memory_space<vmem>>)
    %dma_start3A_128 = arith.constant 0 : i32
    %dma_start3A_129 = tpu.memref_slice %arg3[%add3A_33, %dma_start3A_128] : memref<16383x1024xf32, #tpu.memory_space<hbm>> -> memref<32x1024xf32, #tpu.memory_space<hbm>>
    %dma_start3A_130 = arith.constant 0 : i32
    %dma_start3A_131 = tpu.memref_slice %arg3[%add3A_33, %dma_start3A_130] : memref<16383x1024xf32, #tpu.memory_space<hbm>> -> memref<32x1024xf32, #tpu.memory_space<hbm>>
    tpu.enqueue_dma source(%arg4 : memref<32x1024xf32, #tpu.memory_space<vmem>>) target(%dma_start3A_131 : memref<32x1024xf32, #tpu.memory_space<hbm>>) target_semaphore(%arg10 : memref<!tpu.dma_semaphore, #tpu.memory_space<semaphore_mem>>)
    %dma_wait3A_132 = arith.constant 0 : i32
    %dma_wait3A_133 = tpu.memref_slice %arg3[%add3A_29, %dma_wait3A_132] : memref<16383x1024xf32, #tpu.memory_space<hbm>> -> memref<32x1024xf32, #tpu.memory_space<hbm>>
    %dma_wait3A_134 = arith.constant 0 : i32
    %dma_wait3A_135 = tpu.memref_slice %arg3[%add3A_29, %dma_wait3A_134] : memref<16383x1024xf32, #tpu.memory_space<hbm>> -> memref<32x1024xf32, #tpu.memory_space<hbm>>
    tpu.wait_dma2 semaphore(%arg11 : memref<!tpu.dma_semaphore, #tpu.memory_space<semaphore_mem>>) src(%arg5 : memref<32x1024xf32, #tpu.memory_space<vmem>>) dst(%dma_wait3A_135 : memref<32x1024xf32, #tpu.memory_space<hbm>>)
    %dma_wait3A_136 = arith.constant 0 : i32
    %dma_wait3A_137 = tpu.memref_slice %arg3[%add3A_31, %dma_wait3A_136] : memref<16383x1024xf32, #tpu.memory_space<hbm>> -> memref<32x1024xf32, #tpu.memory_space<hbm>>
    %dma_wait3A_138 = arith.constant 0 : i32
    %dma_wait3A_139 = tpu.memref_slice %arg3[%add3A_31, %dma_wait3A_138] : memref<16383x1024xf32, #tpu.memory_space<hbm>> -> memref<32x1024xf32, #tpu.memory_space<hbm>>
    tpu.wait_dma2 semaphore(%arg12 : memref<!tpu.dma_semaphore, #tpu.memory_space<semaphore_mem>>) src(%arg6 : memref<32x1024xf32, #tpu.memory_space<vmem>>) dst(%dma_wait3A_139 : memref<32x1024xf32, #tpu.memory_space<hbm>>)
    %dma_wait3A_140 = arith.constant 0 : i32
    %dma_wait3A_141 = tpu.memref_slice %arg3[%add3A_33, %dma_wait3A_140] : memref<16383x1024xf32, #tpu.memory_space<hbm>> -> memref<32x1024xf32, #tpu.memory_space<hbm>>
    %dma_wait3A_142 = arith.constant 0 : i32
    %dma_wait3A_143 = tpu.memref_slice %arg3[%add3A_33, %dma_wait3A_142] : memref<16383x1024xf32, #tpu.memory_space<hbm>> -> memref<32x1024xf32, #tpu.memory_space<hbm>>
    tpu.wait_dma2 semaphore(%arg10 : memref<!tpu.dma_semaphore, #tpu.memory_space<semaphore_mem>>) src(%arg4 : memref<32x1024xf32, #tpu.memory_space<vmem>>) dst(%dma_wait3A_143 : memref<32x1024xf32, #tpu.memory_space<hbm>>)
    return
  }
}

module attributes {stable_mosaic.version = 14 : i64} {
  func.func @_tc_body(%arg0: i32, %arg1: memref<16383x1024xf32, #tpu.memory_space<any>>, %arg2: memref<1024x1024xf32, #tpu.memory_space<vmem>>, %arg3: memref<8x1024xf32, #tpu.memory_space<vmem>>, %arg4: memref<1024x1024xf32, #tpu.memory_space<vmem>>) attributes {dimension_semantics = [#tpu.dimension_semantics<arbitrary>], iteration_bounds = array<i64: 9>, scalar_prefetch = 0 : i64, scratch_operands = 0 : i64, tpu.core_type = #tpu.core_type<tc>, window_params = [{}, {transform_indices = @transform_1, window_bounds = array<i64: 1024, 1024>}, {transform_indices = @transform_2, window_bounds = array<i64: 8, 1024>}, {transform_indices = @transform_3, window_bounds = array<i64: 1024, 1024>}]} {
    %eq3A = arith.constant 0 : i32
    %eq3A_0 = arith.cmpi eq, %arg0, %eq3A : i32
    %convert_element_type3A = arith.extui %eq3A_0 : i1 to i32
    %cond3A = arith.constant 0 : i32
    %cond3A_1 = arith.cmpi ne, %convert_element_type3A, %cond3A : i32
    scf.if %cond3A_1 {
      %get3A = arith.constant 0 : index
      %get3A_6 = arith.constant 0 : index
      %get3A_7 = vector.load %arg2[%get3A, %get3A_6] : memref<1024x1024xf32, #tpu.memory_space<vmem>>, vector<1023x1024xf32>
      %get3A_8 = arith.constant 0 : index
      %get3A_9 = arith.constant 0 : index
      %get3A_10 = vector.load %arg3[%get3A_8, %get3A_9] : memref<8x1024xf32, #tpu.memory_space<vmem>>, vector<1x1024xf32>
      %concatenate3A = tpu.concatenate %get3A_7, %get3A_10 in 0 : vector<1023x1024xf32>, vector<1x1024xf32> -> vector<1024x1024xf32>
      %swap3A = arith.constant 0 : index
      %swap3A_11 = arith.constant 0 : index
      %swap3A_12 = vector.load %arg4[%swap3A, %swap3A_11] : memref<1024x1024xf32, #tpu.memory_space<vmem>>, vector<1024x1024xf32>
      tpu.vector_store %arg4[%swap3A, %swap3A_11], %concatenate3A {strides = array<i32>} : memref<1024x1024xf32, #tpu.memory_space<vmem>>, vector<1024x1024xf32>,
    } else {
    }
    %gt3A = arith.constant 0 : i32
    %gt3A_2 = arith.cmpi sgt, %arg0, %gt3A : i32
    %convert_element_type3A_3 = arith.extui %gt3A_2 : i1 to i32
    %cond3A_4 = arith.constant 0 : i32
    %cond3A_5 = arith.cmpi ne, %convert_element_type3A_3, %cond3A_4 : i32
    scf.if %cond3A_5 {
      %get3A = arith.constant 1 : index
      %get3A_6 = arith.constant 0 : index
      %get3A_7 = vector.load %arg2[%get3A, %get3A_6] : memref<1024x1024xf32, #tpu.memory_space<vmem>>, vector<1023x1024xf32>
      %get3A_8 = arith.constant 0 : index
      %get3A_9 = arith.constant 0 : index
      %get3A_10 = vector.load %arg3[%get3A_8, %get3A_9] : memref<8x1024xf32, #tpu.memory_space<vmem>>, vector<1x1024xf32>
      %concatenate3A = tpu.concatenate %get3A_7, %get3A_10 in 0 : vector<1023x1024xf32>, vector<1x1024xf32> -> vector<1024x1024xf32>
      %swap3A = arith.constant 0 : index
      %swap3A_11 = arith.constant 0 : index
      %swap3A_12 = vector.load %arg4[%swap3A, %swap3A_11] : memref<1024x1024xf32, #tpu.memory_space<vmem>>, vector<1024x1024xf32>
      tpu.vector_store %arg4[%swap3A, %swap3A_11], %concatenate3A {strides = array<i32>} : memref<1024x1024xf32, #tpu.memory_space<vmem>>, vector<1024x1024xf32>,
    } else {
    }
    return
  }
  func.func @transform_1(%arg0: i32) -> (i32, i32) {
    %eq3A = arith.constant 0 : i32
    %eq3A_0 = arith.cmpi eq, %arg0, %eq3A : i32
    %sub3A = arith.constant 1 : i32
    %sub3A_1 = arith.subi %arg0, %sub3A : i32
    %jit3A = arith.constant 15 : i32
    %select_n3A = arith.select %eq3A_0, %jit3A, %sub3A_1 : i32
    %c0_i32 = arith.constant 0 : i32
    %c0_i32_2 = arith.constant 0 : i32
    return %select_n3A, %c0_i32 : i32, i32
  }
  func.func @transform_2(%arg0: i32) -> (i32, i32) {
    %mul3A = arith.constant 128 : i32
    %mul3A_0 = arith.muli %mul3A, %arg0 : i32
    %c0_i32 = arith.constant 0 : i32
    %c0_i32_1 = arith.constant 0 : i32
    return %mul3A_0, %c0_i32 : i32, i32
  }
  func.func @transform_3(%arg0: i32) -> (i32, i32) {
    %add3A = arith.constant 7 : i32
    %add3A_0 = arith.addi %add3A, %arg0 : i32
    %c0_i32 = arith.constant 0 : i32
    %c0_i32_1 = arith.constant 0 : i32
    return %add3A_0, %c0_i32 : i32, i32
  }
}

</mosaic_0001>

<sc_bundles>
// kernel: kernel.4.cloned.1.call-start
scs
__scs_entry_jumppad:
0x0: {  	(pc) =	sbr.rel $0x88, $3  }
0x1: {  	(tag) =	ssettag $0x0;
	lr =	simm.s32 $0x1  }
0x2: {  	[smem:$0x3FA0] =	sst lr;
	_ =	strace $0xD0000000  }
0x3: {  	_ = 	snop  }
0x4: {  	_ = 	snop  }
0x5: {  	_ = 	snop  }
0x6: {  	_ = 	snop  }
0x7: {  	_ = 	snop  }
__scs_overlays_trampoline_lowered:
0x8: {  	[smem:$0x3FAF] =	sst s0  }
0x9: {  	[smem:$0x3FB0] =	sst s1  }
0xa: {  	[smem:$0x3FB1] =	sst s2  }
0xb: {  	[smem:$0x3FB2] =	sst s3  }
0xc: {  	[smem:$0x3FB3] =	sst s4  }
0xd: {  	[smem:$0x3FB4] =	sst s5  }
0xe: {  	[smem:$0x3FB5] =	sst s6  }
0xf: {  	[smem:$0x3FB6] =	sst s7  }
0x10: {  	[smem:$0x3FB7] =	sst s8  }
0x11: {  	[smem:$0x3FB8] =	sst s9;
	s0 =	simm.s32 @!p0 $0x0  }
0x12: {  	s1 =	sld [smem:$0x3F9E];
	s0 =	simm.s32 @p0 $0x1  }
0x13: {  	[smem:$0x3FB9] =	sst s0;
	s0 =	simm.s32 @!p1 $0x0  }
0x14: {  	s2 =	sld [smem:$0x3F9D];
	s0 =	simm.s32 @p1 $0x1  }
0x15: {  	[smem:$0x3FBA] =	sst s0;
	s0 =	simm.s32 @!p2 $0x0  }
0x16: {  	s3 =	sld [smem:$0x3FDB];
	s0 =	simm.s32 @p2 $0x1  }
0x17: {  	s4 =	simm.s32 $0x1BF5;
	[smem:$0x3FBC] =	sst s0  }
0x18: {  	s0 =	sld [smem:$0x3F9F];
	_ =	swait.ge [sflag:s4], $0x0  }
0x19: {  	s7 =	sld [smem:$0x3FA0]  }
0x1a: {  	s8 =	sadd.s32 $0xFFFFE003, lr  }
0x1b: {  	s9 =	sadd.s32 $0xFFFFFEF7, lr;
	s5 =	simm.s32 $0xFFFFFFFF;
	p2 =	slt.u32 s8, $0xFFFFF086  }
0x1c: {  	p1 =	slt.u32 s9, $0xF7A;
	s5 =	simm.s32 @!p2 $0x0  }
0x1d: {  	s5 =	simm.s32 @p1 $0x1;
	p0 =	seq.s32 s7, s2  }
0x1e: {  	s7 =	smul.u32 @!p0 $0xF7A, s2;
	p2 =	seq.s32 @!p0 s5, $0x0  }
0x1f: {  	s9 =	smul.u32 $0xF7A, s1;
	s8 =	simm.s32 @!p0 $0x1BF5;
	p2 =	por !p2, p0  }
0x20: {  	[sflag:s8] =	ssyncset.s32 @!p0 $0xFFFFF086;
	s6 =	sadd.s32 @!p0 s3, s7;
	s7 =	simm.s32 @!p0 $0x108  }
0x21: {  	s3 =	sadd.s32 s3, s9;
	s6 =	sadd.s32 @!p0 $0x88, s6;
	s7 =	simm.s32 @p2 $0x1082  }
0x22: {  	[simem:s7], [sflag:s8] =	dma.local @!p0 [hbm:s6], $0xF7A  }
0x23: {  	s9 =	sor.u32 $0xD0000000, s2;
	s6 =	simm.s32 $0x108;
	_ =	swait.ge @!p0 [sflag:s8], $0x0  }
0x24: {  	s3 =	sadd.s32 $0x88, s3;
	s6 =	simm.s32 @!p1 $0x1082;
	[sflag:s4] =	ssyncset.s32 $0xFFFFF086  }
0x25: {  	[simem:s6], [sflag:s4] =	dma.local [hbm:s3], $0xF7A  }
0x26: {  	[smem:$0x3FA0] =	sst s1;
	(tag) =	ssettag s2;
	_ =	strace s9  }
0x27: {  	s1 =	sld [smem:$0x3FB0]  }
0x28: {  	s2 =	sld [smem:$0x3FB1]  }
0x29: {  	s4 =	sld [smem:$0x3FB3]  }
0x2a: {  	p0 =	seq.s32 s5, $0x0;
	s5 =	sld [smem:$0x3FB4]  }
0x2b: {  	s6 =	sld [smem:$0x3FB5]  }
0x2c: {  	s7 =	sld [smem:$0x3FB6]  }
0x2d: {  	s3 =	simm.s32 $0x108;
	s8 =	sld [smem:$0x3FB7]  }
0x2e: {  	s3 =	simm.s32 @!p0 $0x1082;
	s9 =	sld [smem:$0x3FB8]  }
0x2f: {  	lr =	sadd.s32 s0, s3;
	s0 =	sld [smem:$0x3FAF]  }
0x30: {  	s3 =	sld [smem:$0x3FB2]  }
0x31: {  	[smem:$0x3FBB] =	sst s10  }
0x32: {  	s10 =	sld [smem:$0x3FB9];
	_ =	sdelay $0x3  }
0x33: {  	p0 =	seq.s32 s10, $0x1;
	s10 =	sld [smem:$0x3FBB];
	_ =	sdelay $0x3  }
0x34: {  	[smem:$0x3FBB] =	sst s10  }
0x35: {  	s10 =	sld [smem:$0x3FBA];
	_ =	sdelay $0x3  }
0x36: {  	p1 =	seq.s32 s10, $0x1;
	s10 =	sld [smem:$0x3FBB];
	_ =	sdelay $0x3  }
0x37: {  	[smem:$0x3FBB] =	sst s10  }
0x38: {  	s10 =	sld [smem:$0x3FBC]  }
0x39: {  	_ = 	snop;
	(pc) =	sbr.ind lr, $3  }
0x3a: {  	_ = 	snop  }
0x3b: {  	_ = 	snop  }
0x3c: {  	p2 =	seq.s32 s10, $0x1;
	s10 =	sld [smem:$0x3FBB]  }
0x3d: {  	_ =	shalt  }
0x3e: {  	_ =	shalt  }
0x3f: {  	_ =	shalt  }
0x40: {  	_ =	shalt  }
0x41: {  	_ =	shalt  }
0x42: {  	_ =	shalt  }
0x43: {  	_ =	shalt  }
0x44: {  	_ =	shalt  }
0x45: {  	_ =	shalt  }
0x46: {  	_ =	shalt  }
0x47: {  	_ =	shalt  }
0x48: {  	_ =	shalt  }
0x49: {  	_ =	shalt  }
0x4a: {  	_ =	shalt  }
0x4b: {  	_ =	shalt  }
0x4c: {  	_ =	shalt  }
0x4d: {  	_ =	shalt  }
0x4e: {  	_ =	shalt  }
0x4f: {  	_ =	shalt  }
0x50: {  	_ =	shalt  }
0x51: {  	_ =	shalt  }
0x52: {  	_ =	shalt  }
0x53: {  	_ =	shalt  }
0x54: {  	_ =	shalt  }
0x55: {  	_ =	shalt  }
0x56: {  	_ =	shalt  }
0x57: {  	_ =	shalt  }
0x58: {  	_ =	shalt  }
0x59: {  	_ =	shalt  }
0x5a: {  	_ =	shalt  }
0x5b: {  	_ =	shalt  }
0x5c: {  	_ =	shalt  }
0x5d: {  	_ =	shalt  }
0x5e: {  	_ =	shalt  }
0x5f: {  	_ =	shalt  }
0x60: {  	_ =	shalt  }
0x61: {  	_ =	shalt  }
0x62: {  	_ =	shalt  }
0x63: {  	_ =	shalt  }
0x64: {  	_ =	shalt  }
0x65: {  	_ =	shalt  }
0x66: {  	_ =	shalt  }
0x67: {  	_ =	shalt  }
0x68: {  	_ =	shalt  }
0x69: {  	_ =	shalt  }
0x6a: {  	_ =	shalt  }
0x6b: {  	_ =	shalt  }
0x6c: {  	_ =	shalt  }
0x6d: {  	_ =	shalt  }
0x6e: {  	_ =	shalt  }
0x6f: {  	_ =	shalt  }
0x70: {  	_ =	shalt  }
0x71: {  	_ =	shalt  }
0x72: {  	_ =	shalt  }
0x73: {  	_ =	shalt  }
0x74: {  	_ =	shalt  }
0x75: {  	_ =	shalt  }
0x76: {  	_ =	shalt  }
0x77: {  	_ =	shalt  }
0x78: {  	_ =	shalt  }
0x79: {  	_ =	shalt  }
0x7a: {  	_ =	shalt  }
0x7b: {  	_ =	shalt  }
0x7c: {  	_ =	shalt  }
0x7d: {  	_ =	shalt  }
0x7e: {  	_ =	shalt  }
0x7f: {  	_ =	shalt  }
0x80: {  	_ =	shalt  }
0x81: {  	_ =	shalt  }
0x82: {  	_ =	shalt  }
0x83: {  	_ =	shalt  }
0x84: {  	_ =	shalt  }
0x85: {  	_ =	shalt  }
0x86: {  	_ =	shalt  }
0x87: {  	_ =	shalt  }
.Lfunc_end0:
.L_simem_size_0:
called_computation_lowered:
.L_overlay_start_0:
0x88: {  	s2 =	sld [smem:$0x3FD9]  }
0x89: {  	s3 =	sld [smem:$0x3FFE];
	_ =	sdelay $0x1  }
0x8a: {  	s1 =	srdreg.scid  }
0x8b: {  	s0 =	sand.u32 $0x1, s1  }
0x8c: {  	s18 =	sshll.u32 s0, $0xA;
	s2 =	sadd.s32 s3, s2  }
0x8d: {  	s2 =	sadd.s32 s2, s18  }
0x8e: {  	[smem:$0x3FC7] =	sst s2  }
0x8f: {  	_ = 	snop  }
0x90: {  	s2 =	sld [smem:$0x3FC9]  }
0x91: {  	s19 =	sld [smem:$0x3FD0];
	(tm) =	ssettm $0x1  }
0x92: {  	s4 =	sld [smem:$0x3FFB];
	_ =	sdelay $0x3  }
0x93: {  	_ =	strace s4  }
0x94: {  	s4 =	sld [smem:$0x3FFC];
	_ =	sdelay $0x3  }
0x95: {  	_ =	strace s4  }
0x96: {  	s4 =	sld [smem:$0x3FFD];
	_ =	sdelay $0x3  }
0x97: {  	_ =	strace s4  }
0x98: {  	_ =	strace $0x8FFFFFFF  }
0x99: {  	s20 =	sld [smem:$0x3FDB];
	_ =	sdelay $0x1  }
0x9a: {  	s5 =	simm.s32 $_scs_section_size  }
0x9b: {  	s6 =	simm.s32 $_size__tile_overlayer_lowered;
	s7 =	simm.s32 $_tile_overlayer_lowered  }
0x9c: {  	s23 =	simm.s32 $0x1BFF;
	s22 =	sshll.u32 s7, $0x1;
	s4 =	sadd.s32 s5, s20  }
0x9d: {  	s8 =	simm.s32 $0x0;
	s21 =	sshll.u32 s6, $0x1;
	s6 =	sadd.s32 s22, s4  }
0x9e: {  	[timem:s8], [sflag:s23] =	dma.local [hbm:s6], s21  }
0x9f: {  	_ =	swait.ge [sflag:s23], s21  }
0xa0: {  	s5 =	ssub.s32 $0x0, s21;
	[sflag:s23] =	ssyncset.done $0x0  }
0xa1: {  	[sflag:s23] =	ssyncadd.s32 s5;
	_ =	sdelay $0x1  }
0xa2: {  	s24 =	simm.s32 $0x1B8B  }
0xa3: {  	_ =	swait.ge [sflag:s24], $0x1  }
0xa4: {  	[sflag:s24] =	ssyncset.done $0x0  }
0xa5: {  	s25 =	simm.s32 $0x1B8E;
	[sflag:s24] =	ssyncadd.s32 $0xFFFFFFFF  }
0xa6: {  	s26 =	simm.s32 $execute0_lowered;
	[smem:$0x3FD2] =	sst s25  }
0xa7: {  	s5 =	sshll.u32 s26, $0x1;
	_ =	strace $0x80000046;
	[dreg:$0x1] =	wrdreg $0xFFFFFFFF  }
0xa8: {  	s28 =	simm.s32 $_size_execute0_lowered;
	s4 =	sadd.s32 s4, s5;
	[dreg:$0x0] =	wrdreg $0x0  }
0xa9: {  	s5 =	sshll.u32 s28, $0x1;
	[dreg:$0x2] =	wrdreg s4  }
0xaa: {  	[dreg:$0x3] =	wrdreg s5  }
0xab: {  	[dreg:$0x4] =	wrdreg $0xC0  }
0xac: {  	_ =	task [dreg:s8], $0x5FFFF  }
0xad: {  	[dreg:$0x1] =	wrdreg $0xFFFFFFFF  }
0xae: {  	[dreg:$0x0] =	wrdreg $0x60  }
0xaf: {  	[dreg:$0x2] =	wrdreg s2  }
0xb0: {  	[dreg:$0x3] =	wrdreg s19  }
0xb1: {  	[dreg:$0x4] =	wrdreg $0x9  }
0xb2: {  	_ =	task.clear_ibuf [dreg:s8], $0x5FFFF;
	_ =	strace $0x90000046  }
0xb3: {  	s29 =	simm.s32 $0x9;
	_ =	strace $0x80000048  }
0xb4: {  	_ =	swait.ge [sflag:s29], $0x1  }
0xb5: {  	[sflag:s29] =	ssyncadd.s32 $0xFFFFFFFF  }
0xb6: {  	_ =	strace $0x90000048  }
0xb7: {  	_ =	sfence  }
0xb8: {  	s30 =	sld [smem:$0x0];
	_ =	sdelay $0x2  }
0xb9: {  	s31 =	sshll.u32 s1, $0xD;
	s1 =	sshrl.u32 s1, $0x2  }
0xba: {  	s3 =	sand.u32 $0x4000, s31;
	s1 =	sadd.s32 s1, s30  }
0xbb: {  	s0 =	sor.u32 s3, s0;
	s1 =	sshll.u32 s1, $0x11  }
0xbc: {  	s0 =	sor.u32 s1, s0  }
0xbd: {  	s0 =	sadd.s32 $0x8F2B, s0  }
0xbe: {  	[sflag:s0] =	ssyncadd.remote.s32 $0x1  }
0xbf: {  	_ =	sfence.sel $0xFFFF  }
0xc0: {  	[dreg:$0x0] =	wrdreg $0xFFFFFFFF;
	(pc) =	sbr.abs _section_cstart, $3  }
0xc1: {  	[dreg:$0x1] =	wrdreg $0xFFFFFFFF  }
0xc2: {  	_ =	task.clear_ibuf [dreg:s8], $0x2FFFF;
	_ =	strace $0x9FFFFFFF  }
0xc3: {  	(tm) =	ssettm $0x7FFFFFFF  }
tec
execute0_lowered:
.L_overlay_start_1:
0x0: {  	(tag) =	ssettag $0x1  }
0x1: {  	s1 =	srdreg.scid;
	s0 =	stileid.u32  }
0x2: {  	s25 =	sand.u32 $0x1, s1;
	s31 =	sshll.u32 s0, $0x1  }
0x3: {  	s9 =	sor.u32 s25, s31  }
0x4: {  	s4 =	smul.u32 $0x38000, s9  }
0x5: {  	s3 =	rddreg [dreg:$0x0]  }
0x6: {  	s13 =	rddreg [dreg:$0x1];
	s2 =	simm.s32 $0x0;
	s14 =	sshrl.u32 s4, $0x3  }
0x7: {  	[smem:$0x7FF] =	sst s2;
	s21 =	sadd.s32 s3, s14  }
0x8: {  	s1 =	rddreg [dreg:$0x2];
	_ =	strace $0x80000047;
	s3 =	sadd.s32 $0x100000, s21  }
0x9: {  	[tilespmem:s2], [sflag:$0x1] =	stream.linear.gather [hbm4b:s3+s2], $0x8000, $0x38;
	[tilespmem:$0x18000] =	vst v63  }
0xa: {  	s5 =	simm.s32 $0x8000;
	s4 =	sadd.s32 $0x101000, s21  }
0xb: {  	[tilespmem:s5], [sflag:$0x2] =	stream.linear.gather [hbm4b:s4+s2], $0x8000, $0x38;
	[tilespmem:$0x18000] =	vst v63  }
0xc: {  	s7 =	simm.s32 $0x10000;
	s8 =	simm.s32 $0x1;
	s6 =	sadd.s32 $0x102000, s21  }
0xd: {  	[tilespmem:s7], [sflag:$0x3] =	stream.linear.gather [hbm4b:s6+s2], $0x8000, $0x38;
	[tilespmem:$0x18000] =	vst v63  }
0xe: {  	s9 =	smul.u32 $0x7000, s9;
	_ =	swait.ge [sflag:s8], $0x8000  }
0xf: {  	[sflag:s8] =	ssyncset.done $0x0  }
0x10: {  	s10 =	sadd.s32 s13, s9;
	s9 =	simm.s32 $0x4;
	[sflag:s8] =	ssyncadd.s32 $0xFFFF8000  }
0x11: {  	[hbm4b:s10+s2] =	stream.linear.scatter [tilespmem:s2], [sflag:$0x4], $0x8000, $0x38;
	[tilespmem:$0x18000] =	vst v63  }
0x12: {  	_ =	swait.ge [sflag:s9], $0x8000  }
0x13: {  	[sflag:s9] =	ssyncset.done $0x0  }
0x14: {  	s12 =	simm.s32 $0x2;
	s11 =	sadd.s32 $0x103000, s21;
	[sflag:s9] =	ssyncadd.s32 $0xFFFF8000  }
0x15: {  	[tilespmem:s2], [sflag:$0x1] =	stream.linear.gather [hbm4b:s11+s2], $0x8000, $0x38;
	[tilespmem:$0x18000] =	vst v63  }
0x16: {  	_ =	swait.ge [sflag:s12], $0x8000  }
0x17: {  	s24 =	sadd.s32 s13, s14;
	[sflag:s12] =	ssyncset.done $0x0  }
0x18: {  	s14 =	simm.s32 $0x5;
	s13 =	sadd.s32 $0x1000, s24;
	[sflag:s12] =	ssyncadd.s32 $0xFFFF8000  }
0x19: {  	[hbm4b:s13+s2] =	stream.linear.scatter [tilespmem:s5], [sflag:$0x5], $0x8000, $0x38;
	[tilespmem:$0x18000] =	vst v63  }
0x1a: {  	_ =	swait.ge [sflag:s14], $0x8000  }
0x1b: {  	[sflag:s14] =	ssyncset.done $0x0  }
0x1c: {  	s16 =	simm.s32 $0x3;
	s15 =	sadd.s32 $0x104000, s21;
	[sflag:s14] =	ssyncadd.s32 $0xFFFF8000  }
0x1d: {  	[tilespmem:s5], [sflag:$0x2] =	stream.linear.gather [hbm4b:s15+s2], $0x8000, $0x38;
	[tilespmem:$0x18000] =	vst v63  }
0x1e: {  	_ =	swait.ge [sflag:s16], $0x8000  }
0x1f: {  	[sflag:s16] =	ssyncset.done $0x0  }
0x20: {  	s18 =	simm.s32 $0x6;
	s17 =	sadd.s32 $0x2000, s24;
	[sflag:s16] =	ssyncadd.s32 $0xFFFF8000  }
0x21: {  	[hbm4b:s17+s2] =	stream.linear.scatter [tilespmem:s7], [sflag:$0x6], $0x8000, $0x38;
	[tilespmem:$0x18000] =	vst v63  }
0x22: {  	_ =	swait.ge [sflag:s18], $0x8000  }
0x23: {  	[sflag:s18] =	ssyncset.done $0x0  }
0x24: {  	s19 =	sadd.s32 $0x105000, s21;
	[sflag:s18] =	ssyncadd.s32 $0xFFFF8000  }
0x25: {  	[tilespmem:s7], [sflag:$0x3] =	stream.linear.gather [hbm4b:s19+s2], $0x8000, $0x38;
	[tilespmem:$0x18000] =	vst v63  }
0x26: {  	_ =	swait.ge [sflag:s8], $0x8000  }
0x27: {  	[sflag:s8] =	ssyncset.done $0x0  }
0x28: {  	s20 =	sadd.s32 $0x3000, s24;
	[sflag:s8] =	ssyncadd.s32 $0xFFFF8000  }
0x29: {  	[hbm4b:s20+s2] =	stream.linear.scatter [tilespmem:s2], [sflag:$0x4], $0x8000, $0x38;
	[tilespmem:$0x18000] =	vst v63  }
0x2a: {  	_ =	swait.ge [sflag:s9], $0x8000  }
0x2b: {  	[sflag:s9] =	ssyncset.done $0x0  }
0x2c: {  	s21 =	sadd.s32 $0x106000, s21;
	[sflag:s9] =	ssyncadd.s32 $0xFFFF8000  }
0x2d: {  	[tilespmem:s2], [sflag:$0x1] =	stream.linear.gather [hbm4b:s21+s2], $0x8000, $0x38;
	[tilespmem:$0x18000] =	vst v63  }
0x2e: {  	_ =	swait.ge [sflag:s12], $0x8000  }
0x2f: {  	[sflag:s12] =	ssyncset.done $0x0  }
0x30: {  	s22 =	sadd.s32 $0x4000, s24;
	[sflag:s12] =	ssyncadd.s32 $0xFFFF8000  }
0x31: {  	[hbm4b:s22+s2] =	stream.linear.scatter [tilespmem:s5], [sflag:$0x5], $0x8000, $0x38;
	[tilespmem:$0x18000] =	vst v63  }
0x32: {  	_ =	swait.ge [sflag:s16], $0x8000  }
0x33: {  	[sflag:s16] =	ssyncset.done $0x0  }
0x34: {  	s23 =	sadd.s32 $0x5000, s24;
	[sflag:s16] =	ssyncadd.s32 $0xFFFF8000  }
0x35: {  	[hbm4b:s23+s2] =	stream.linear.scatter [tilespmem:s7], [sflag:$0x6], $0x8000, $0x38;
	[tilespmem:$0x18000] =	vst v63  }
0x36: {  	_ =	swait.ge [sflag:s8], $0x8000  }
0x37: {  	s25 =	ssub.s32 $0x2, s25;
	[sflag:s8] =	ssyncset.done $0x0  }
0x38: {  	s26 =	sshrl.u32 s25, $0x1;
	s24 =	sadd.s32 $0x6000, s24;
	[sflag:s8] =	ssyncadd.s32 $0xFFFF8000  }
0x39: {  	[hbm4b:s24+s2] =	stream.linear.scatter [tilespmem:s2], [sflag:$0x4], $0x8000, $0x38;
	[tilespmem:$0x18000] =	vst v63  }
0x3a: {  	s25 =	ssub.s32 s25, s26;
	_ =	swait.ge [sflag:s14], $0x8000  }
0x3b: {  	s25 =	smax.u32 s25, $0x1;
	[sflag:s14] =	ssyncset.done $0x0  }
0x3c: {  	p0 =	sne.s32 s25, $0x1;
	[sflag:s14] =	ssyncadd.s32 $0xFFFF8000  }
.Ltmp0:
0x3d: {  	_ =	swait.ge [sflag:s18], $0x8000;
	(pc) =	sbr.rel @!p0 .LBB2_2-.Ltmp0, $4  }
0x3e: {  	[sflag:s18] =	ssyncset.done $0x0  }
0x3f: {  	[sflag:s18] =	ssyncadd.s32 $0xFFFF8000  }
0x40: {  	_ =	swait.ge [sflag:s9], $0x8000  }
0x41: {  	s25 =	sadd.s32 $0xFFFFFFFF, s25;
	[sflag:s9] =	ssyncset.done $0x0  }
.LBB2_1:
0x42: {  	p0 =	sne.s32 s25, $0x1;
	s25 =	sadd.s32 $0xFFFFFFFF, s25;
	[sflag:s9] =	ssyncadd.s32 $0xFFFF8000  }
0x43: {  	[tilespmem:s2], [sflag:$0x1] =	stream.linear.gather [hbm4b:s3+s2], $0x8000, $0x38;
	[tilespmem:$0x18000] =	vst v63  }
0x44: {  	_ = 	snop  }
0x45: {  	[tilespmem:s5], [sflag:$0x2] =	stream.linear.gather [hbm4b:s4+s2], $0x8000, $0x38;
	[tilespmem:$0x18000] =	vst v63  }
0x46: {  	_ = 	snop  }
0x47: {  	[tilespmem:s7], [sflag:$0x3] =	stream.linear.gather [hbm4b:s6+s2], $0x8000, $0x38;
	[tilespmem:$0x18000] =	vst v63  }
0x48: {  	_ =	swait.ge [sflag:s8], $0x8000  }
0x49: {  	[sflag:s8] =	ssyncset.done $0x0  }
0x4a: {  	[sflag:s8] =	ssyncadd.s32 $0xFFFF8000  }
0x4b: {  	[hbm4b:s10+s2] =	stream.linear.scatter [tilespmem:s2], [sflag:$0x4], $0x8000, $0x38;
	[tilespmem:$0x18000] =	vst v63  }
0x4c: {  	_ =	swait.ge [sflag:s9], $0x8000  }
0x4d: {  	[sflag:s9] =	ssyncset.done $0x0  }
0x4e: {  	[sflag:s9] =	ssyncadd.s32 $0xFFFF8000  }
0x4f: {  	[tilespmem:s2], [sflag:$0x1] =	stream.linear.gather [hbm4b:s11+s2], $0x8000, $0x38;
	[tilespmem:$0x18000] =	vst v63  }
0x50: {  	_ =	swait.ge [sflag:s12], $0x8000  }
0x51: {  	[sflag:s12] =	ssyncset.done $0x0  }
0x52: {  	[sflag:s12] =	ssyncadd.s32 $0xFFFF8000  }
0x53: {  	[hbm4b:s13+s2] =	stream.linear.scatter [tilespmem:s5], [sflag:$0x5], $0x8000, $0x38;
	[tilespmem:$0x18000] =	vst v63  }
0x54: {  	_ =	swait.ge [sflag:s14], $0x8000  }
0x55: {  	[sflag:s14] =	ssyncset.done $0x0  }
0x56: {  	[sflag:s14] =	ssyncadd.s32 $0xFFFF8000  }
0x57: {  	[tilespmem:s5], [sflag:$0x2] =	stream.linear.gather [hbm4b:s15+s2], $0x8000, $0x38;
	[tilespmem:$0x18000] =	vst v63  }
0x58: {  	_ =	swait.ge [sflag:s16], $0x8000  }
0x59: {  	[sflag:s16] =	ssyncset.done $0x0  }
0x5a: {  	[sflag:s16] =	ssyncadd.s32 $0xFFFF8000  }
0x5b: {  	[hbm4b:s17+s2] =	stream.linear.scatter [tilespmem:s7], [sflag:$0x6], $0x8000, $0x38;
	[tilespmem:$0x18000] =	vst v63  }
0x5c: {  	_ =	swait.ge [sflag:s18], $0x8000  }
0x5d: {  	[sflag:s18] =	ssyncset.done $0x0  }
0x5e: {  	[sflag:s18] =	ssyncadd.s32 $0xFFFF8000  }
0x5f: {  	[tilespmem:s7], [sflag:$0x3] =	stream.linear.gather [hbm4b:s19+s2], $0x8000, $0x38;
	[tilespmem:$0x18000] =	vst v63  }
0x60: {  	_ =	swait.ge [sflag:s8], $0x8000  }
0x61: {  	[sflag:s8] =	ssyncset.done $0x0  }
0x62: {  	[sflag:s8] =	ssyncadd.s32 $0xFFFF8000  }
0x63: {  	[hbm4b:s20+s2] =	stream.linear.scatter [tilespmem:s2], [sflag:$0x4], $0x8000, $0x38;
	[tilespmem:$0x18000] =	vst v63  }
0x64: {  	_ =	swait.ge [sflag:s9], $0x8000  }
0x65: {  	[sflag:s9] =	ssyncset.done $0x0  }
0x66: {  	[sflag:s9] =	ssyncadd.s32 $0xFFFF8000  }
0x67: {  	[tilespmem:s2], [sflag:$0x1] =	stream.linear.gather [hbm4b:s21+s2], $0x8000, $0x38;
	[tilespmem:$0x18000] =	vst v63  }
0x68: {  	_ =	swait.ge [sflag:s12], $0x8000  }
0x69: {  	[sflag:s12] =	ssyncset.done $0x0  }
0x6a: {  	[sflag:s12] =	ssyncadd.s32 $0xFFFF8000  }
0x6b: {  	[hbm4b:s22+s2] =	stream.linear.scatter [tilespmem:s5], [sflag:$0x5], $0x8000, $0x38;
	[tilespmem:$0x18000] =	vst v63  }
0x6c: {  	_ =	swait.ge [sflag:s16], $0x8000  }
0x6d: {  	[sflag:s16] =	ssyncset.done $0x0  }
0x6e: {  	[sflag:s16] =	ssyncadd.s32 $0xFFFF8000  }
0x6f: {  	[hbm4b:s23+s2] =	stream.linear.scatter [tilespmem:s7], [sflag:$0x6], $0x8000, $0x38;
	[tilespmem:$0x18000] =	vst v63  }
0x70: {  	_ =	swait.ge [sflag:s8], $0x8000  }
0x71: {  	[sflag:s8] =	ssyncset.done $0x0  }
0x72: {  	[sflag:s8] =	ssyncadd.s32 $0xFFFF8000  }
0x73: {  	[hbm4b:s24+s2] =	stream.linear.scatter [tilespmem:s2], [sflag:$0x4], $0x8000, $0x38;
	[tilespmem:$0x18000] =	vst v63  }
0x74: {  	_ =	swait.ge [sflag:s14], $0x8000  }
0x75: {  	[sflag:s14] =	ssyncset.done $0x0  }
0x76: {  	[sflag:s14] =	ssyncadd.s32 $0xFFFF8000  }
.Ltmp1:
0x77: {  	_ =	swait.ge [sflag:s18], $0x8000;
	(pc) =	sbr.rel @p0 .LBB2_1-.Ltmp1, $4  }
0x78: {  	[sflag:s18] =	ssyncset.done $0x0  }
0x79: {  	[sflag:s18] =	ssyncadd.s32 $0xFFFF8000  }
0x7a: {  	_ =	swait.ge [sflag:s9], $0x8000  }
0x7b: {  	[sflag:s9] =	ssyncset.done $0x0  }
.LBB2_2:
0x7c: {  	[sflag:s9] =	ssyncadd.s32 $0xFFFF8000  }
0x7d: {  	_ =	sfence.sel $0x180000  }
0x7e: {  	[bflag:$0x0] =	sbarrier.arrive $0xFFFF  }
0x7f: {  	p0 =	sne.s32 s0, $0x0;
	_ =	strace $0x90000047  }
0x80: {  	s0 =	sadd.s32 @!p0 $0x100000, s1;
	[bflag:$0x2] =	sbarrier.arrive $0xFFFF  }
0x81: {  	[sflag:s0] =	ssyncadd.tile.s32 @!p0 $0x1;
	_ =	shalt  }
.Lfunc_end2:
_tile_overlayer_lowered:
.L_overlay_start_2:
0x82: {  	(tag) =	ssettag $0x2  }
0x83: {  	s0 =	rddreg [dreg:$0x0];
	s2 =	stileid.u32  }
0x84: {  	s1 =	rddreg [dreg:$0x1];
	p0 =	sne.s32 s2, $0x0  }
0x85: {  	s3 =	rddreg [dreg:$0x2];
	[bflag:$0x3] =	sbarrier.arrive $0xFFFF;
	s2 =	simm.s32 @!p0 $0x1C07  }
0x86: {  	[timem:s3], [sflag:s2] =	dma.local @!p0 [hbm:s0], s1  }
0x87: {  	s0 =	simm.s32 @!p0 $0x7  }
0x88: {  	_ =	swait.ge @!p0 [sflag:s0], s1  }
0x89: {  	s1 =	ssub.s32 @!p0 $0x0, s1;
	[sflag:s0] =	ssyncset.done @!p0 $0x0  }
0x8a: {  	[sflag:s0] =	ssyncadd.s32 @!p0 s1  }
0x8b: {  	[bflag:$0x3] =	sbarrier.arrive $0xFFFF  }
0x8c: {  	_ =	shalt  }

</sc_bundles>
